<compile_context>
chip_gen: v7x
topology: tpu7x:2x2x1
jax: 0.10.2.dev20260603
libtpu: 0.0.44.dev20260713+nightly
codegen_flags: <defaults>
</compile_context>

<pallas_src>
import jax
import jax.numpy as jnp
import numpy as np
from jax.experimental import pallas as pl

_B = 16
_HW = 512
_C = 128
_NCLS = 2
_OCC = 256
_PATCH = 32
_G = 16
_NPTS = _G * _G
_MAP = 64
_CS = np.float32(3.2 / 64.0)
_MAXH = 39
_HI = jax.lax.Precision.HIGHEST
_NT = (((1,), (1,)), ((), ()))


def _body(p_ref, d_ref, wenc_ref, benc_ref, wdecT_ref, cam_ref, camT_ref,
          ahc_ref, ah_ref, aht_ref, u_ref, ut_ref, out_ref):
    feats = jnp.dot(p_ref[0], wenc_ref[...],
                    preferred_element_type=jnp.float32,
                    precision=_HI) + benc_ref[...]
    gT = jax.lax.dot_general(wdecT_ref[...], feats, _NT,
                             preferred_element_type=jnp.float32,
                             precision=_HI)

    t = (jnp.dot(ahc_ref[0], d_ref[0, 0], preferred_element_type=jnp.float32,
                 precision=_HI)
         + jnp.dot(ahc_ref[1], d_ref[0, 1], preferred_element_type=jnp.float32,
                   precision=_HI)
         + jnp.dot(ahc_ref[2], d_ref[0, 2], preferred_element_type=jnp.float32,
                   precision=_HI))
    ds2 = jnp.dot(t, aht_ref[...], preferred_element_type=jnp.float32,
                  precision=_HI)
    ds2t = jax.lax.dot_general(ah_ref[...], t, _NT,
                               preferred_element_type=jnp.float32,
                               precision=_HI)
    ds_r = jnp.concatenate([ds2[r:r + 1, :] for r in range(_G)], axis=1)
    ds_c = jnp.concatenate([ds2t[:, r:r + 1] for r in range(_G)], axis=0)

    def vox(ds, cx, cy, cz):
        px, py, pz = ds * cx, ds * cy + 1.0, ds * cz
        x = jnp.floor(px / _CS).astype(jnp.int32) + _MAP // 2
        y = jnp.floor(py / _CS).astype(jnp.int32)
        z = jnp.floor(pz / _CS).astype(jnp.int32) + _MAP
        valid = ((x >= 0) & (x < _MAP) & (z >= 0) & (z < _MAP) & (y < _MAXH))
        return x, y, z, valid

    x_r, y_r, z_r, valid_r = vox(ds_r, cam_ref[0:1, :], cam_ref[1:2, :],
                                 cam_ref[2:3, :])
    x_c, y_c, z_c, _ = vox(ds_c, camT_ref[:, 0:1], camT_ref[:, 1:2],
                           camT_ref[:, 2:3])
    lc_r = jnp.where(valid_r, z_r * _MAP + x_r, -1)
    lc_c = z_c * _MAP + x_c

    dom = (lc_c == lc_r) & (y_c > y_r)
    domf = jnp.max(dom.astype(jnp.float32), axis=0, keepdims=True)
    maskf = jnp.where(valid_r & (domf < 0.5), 1.0, 0.0)

    rows = jax.lax.broadcasted_iota(jnp.int32, (_MAP, _NPTS), 0)
    mz = (rows == z_r).astype(jnp.float32)
    mx = (rows == x_r).astype(jnp.float32)

    for n in range(_NCLS):
        s1 = mz * (gT[n:n + 1, :] * maskf)
        yn = jax.lax.dot_general(s1, mx, _NT,
                                 preferred_element_type=jnp.float32,
                                 precision=_HI)
        up = jnp.dot(jnp.dot(u_ref[...], yn, preferred_element_type=jnp.float32,
                             precision=_HI), ut_ref[...],
                     preferred_element_type=jnp.float32, precision=_HI)
        out_ref[0, n] = up


def kernel(inputs, W_enc, b_enc, W_dec, cam_coords):
    rgb = inputs[:, :3]
    depth = inputs[:, 3:]

    p = rgb.reshape(_B, 3, _G, _PATCH, _G, _PATCH)
    p = p.transpose(0, 2, 4, 1, 3, 5).reshape(_B, _G * _G, 3 * _PATCH * _PATCH)

    ah = jax.image.resize(jnp.eye(_HW, dtype=jnp.float32), (_G, _HW), 'bilinear')
    wc = jax.image.resize(jnp.eye(3, dtype=jnp.float32), (1, 3), 'bilinear')[0]
    ahc = wc[:, None, None] * ah[None]
    u = jax.image.resize(jnp.eye(_MAP, dtype=jnp.float32), (_OCC, _MAP),
                         'bilinear')

    grid_spec = pl.GridSpec(
        grid=(_B,),
        in_specs=[
            pl.BlockSpec((1, _NPTS, 3 * _PATCH * _PATCH), lambda b: (b, 0, 0)),
            pl.BlockSpec((1, 3, _HW, _HW), lambda b: (b, 0, 0, 0)),
            pl.BlockSpec((3 * _PATCH * _PATCH, _C), lambda b: (0, 0)),
            pl.BlockSpec((1, _C), lambda b: (0, 0)),
            pl.BlockSpec((_NCLS, _C), lambda b: (0, 0)),
            pl.BlockSpec((3, _NPTS), lambda b: (0, 0)),
            pl.BlockSpec((_NPTS, 3), lambda b: (0, 0)),
            pl.BlockSpec((3, _G, _HW), lambda b: (0, 0, 0)),
            pl.BlockSpec((_G, _HW), lambda b: (0, 0)),
            pl.BlockSpec((_HW, _G), lambda b: (0, 0)),
            pl.BlockSpec((_OCC, _MAP), lambda b: (0, 0)),
            pl.BlockSpec((_MAP, _OCC), lambda b: (0, 0)),
        ],
        out_specs=pl.BlockSpec((1, _NCLS, _OCC, _OCC), lambda b: (b, 0, 0, 0)),
    )

    return pl.pallas_call(
        _body,
        grid_spec=grid_spec,
        out_shape=jax.ShapeDtypeStruct((_B, _NCLS, _OCC, _OCC), jnp.float32),
    )(p, depth, W_enc, b_enc.reshape(1, _C), W_dec.T, cam_coords,
      cam_coords.T, ahc, ah, ah.T, u, u.T)

# --- scband reference (transcript-rebuilt; emitter-appended) ---
"""Pipeline reference for scband-project-wdepth-36318243455249 (READ-ONLY COPY).

The authoritative reference and input builder live on the scoring server;
editing this copy changes nothing except your own understanding.
"""

import jax, jax.numpy as jnp
import numpy as np

B = 16; H = 512; W = 512; C = 128; NUM_CLASS = 2; OCC = 256
CAM_HEIGHT = 1.0; OBSTACLE_H = 2; PATCH = 32; GH = 16; GW = 16


def _cam_coords():
    proj_xs, proj_ys = np.meshgrid(np.linspace(-1, 1, 16), np.linspace(1, -1, 16))
    xs = proj_xs.reshape(-1); ys = proj_ys.reshape(-1); zs = -np.ones_like(xs)
    inv_K = np.linalg.inv(np.eye(3))
    return jnp.asarray((inv_K @ np.array([xs, ys, zs])).astype(np.float32))


def setup_inputs(seed: int = 0):
    key = jax.random.key(seed)
    k1, k2, k3 = jax.random.split(key, 3)
    return {
        'inputs': jax.random.uniform(k1, (B, 6, H, W), dtype=jnp.float32),
        'W_enc': jax.random.normal(k2, (3 * PATCH * PATCH, C), dtype=jnp.float32) * 0.02,
        'b_enc': jnp.zeros((C,), dtype=jnp.float32),
        'W_dec': jax.random.normal(k3, (C, NUM_CLASS), dtype=jnp.float32) * 0.02,
        'cam_coords': _cam_coords(),
    }


def _encoder(rgb, W_enc, b_enc):
    b = rgb.shape[0]
    p = rgb.reshape(b, 3, GH, PATCH, GW, PATCH).transpose(0, 2, 4, 1, 3, 5).reshape(b, GH * GW, 3 * PATCH * PATCH)
    f = p @ W_enc + b_enc
    return f.transpose(0, 2, 1).reshape(b, C, GH, GW)


def _decoder(x, W_dec):
    b = x.shape[0]
    y = jnp.einsum('bchw,cn->bnhw', x, W_dec)
    return jax.image.resize(y, (b, NUM_CLASS, OCC, OCC), method='bilinear')


def reference(inputs, W_enc, b_enc, W_dec, cam_coords):
    rgb, depth = inputs[:, :3], inputs[:, 3:]
    features = _encoder(rgb, W_enc, b_enc)
    b, c, h, w = features.shape
    depth = jax.image.resize(depth, (b, 1, w, h), method='bilinear')
    pc = depth.reshape(b, 1, -1) * cam_coords[None]
    pc = jnp.swapaxes(pc, -1, -2)
    pc = pc.at[..., 1].add(CAM_HEIGHT)
    map_size = OCC // 4
    cell_size = 3.2 / map_size
    max_height_idx = OBSTACLE_H // cell_size
    x_idx = jnp.floor(pc[..., 0] / cell_size).reshape(-1).astype(jnp.int32) + map_size // 2
    y_idx = jnp.floor(pc[..., 1] / cell_size).reshape(-1).astype(jnp.int32)
    z_idx = jnp.floor(pc[..., 2] / cell_size).reshape(-1).astype(jnp.int32) + map_size
    batch_idx = jnp.repeat(jnp.arange(b, dtype=jnp.int32), pc.shape[1])
    valid = (x_idx >= 0) & (x_idx < map_size) & (z_idx >= 0) & (z_idx < map_size) & (y_idx < max_height_idx)
    flat_idx = batch_idx * map_size * map_size * max_height_idx + z_idx * map_size * max_height_idx + x_idx * max_height_idx + y_idx
    cell_agg_idx = batch_idx * map_size * map_size + z_idx * map_size + x_idx
    flat_idx = jnp.where(valid, flat_idx, jnp.inf)
    cell_agg_idx = jnp.where(valid, cell_agg_idx, b * map_size * map_size)
    rank = jnp.argsort(flat_idx)
    flat_idx = flat_idx[rank]
    cell_agg_idx = cell_agg_idx[rank]
    kept = jnp.concatenate([flat_idx[1:] != flat_idx[:-1], jnp.ones((1,), bool)])
    cell_kept = jnp.concatenate([cell_agg_idx[1:] != cell_agg_idx[:-1], jnp.ones((1,), bool)])
    feats = features.reshape(b, c, -1).transpose(0, 2, 1).reshape(-1, c)
    feats = feats[rank]
    fsum = jnp.cumsum(feats, axis=0)
    n = fsum.shape[0]
    pos = jnp.arange(n, dtype=jnp.int32)
    prev = jnp.concatenate([jnp.full((1,), -1, jnp.int32), jax.lax.cummax(jnp.where(kept, pos, -1))[:-1]])
    prev_sum = jnp.where((prev >= 0)[:, None], fsum[jnp.maximum(prev, 0)], 0.0)
    x_sum = fsum - prev_sum
    scatter_idx = jnp.where(kept & cell_kept, cell_agg_idx, b * map_size * map_size)
    warped = jnp.zeros((b * map_size * map_size, c), jnp.float32).at[scatter_idx].set(x_sum)
    warped = warped.reshape(b, map_size, map_size, c).transpose(0, 3, 1, 2)
    return _decoder(warped, W_dec)

if __name__ == "__main__":
    import jax
    _d = setup_inputs()
    print(jax.jit(kernel)(*tuple(_d.values())))

</pallas_src>

<mosaic_0001>
module attributes {stable_mosaic.version = 14 : i64} {
  func.func @_body(%arg0: i32, %arg1: memref<1x256x3072xf32, #tpu.memory_space<vmem>>, %arg2: memref<1x3x512x512xf32, #tpu.memory_space<vmem>>, %arg3: memref<3072x128xf32, #tpu.memory_space<vmem>>, %arg4: memref<1x128xf32, #tpu.memory_space<vmem>>, %arg5: memref<2x128xf32, #tpu.memory_space<vmem>>, %arg6: memref<3x256xf32, #tpu.memory_space<vmem>>, %arg7: memref<256x3xf32, #tpu.memory_space<vmem>>, %arg8: memref<3x16x512xf32, #tpu.memory_space<vmem>>, %arg9: memref<16x512xf32, #tpu.memory_space<vmem>>, %arg10: memref<512x16xf32, #tpu.memory_space<vmem>>, %arg11: memref<256x64xf32, #tpu.memory_space<vmem>>, %arg12: memref<64x256xf32, #tpu.memory_space<vmem>>, %arg13: memref<1x2x256x256xf32, #tpu.memory_space<vmem>>) attributes {dimension_semantics = [#tpu.dimension_semantics<arbitrary>], iteration_bounds = array<i64: 16>, scalar_prefetch = 0 : i64, scratch_operands = 0 : i64, tpu.core_type = #tpu.core_type<tc>, window_params = [{transform_indices = @transform_0, window_bounds = array<i64: 1, 256, 3072>}, {transform_indices = @transform_1, window_bounds = array<i64: 1, 3, 512, 512>}, {pipeline_mode = #tpu.pipeline_mode<synchronous>, transform_indices = @transform_2, window_bounds = array<i64: 3072, 128>}, {pipeline_mode = #tpu.pipeline_mode<synchronous>, transform_indices = @transform_3, window_bounds = array<i64: 1, 128>}, {pipeline_mode = #tpu.pipeline_mode<synchronous>, transform_indices = @transform_4, window_bounds = array<i64: 2, 128>}, {pipeline_mode = #tpu.pipeline_mode<synchronous>, transform_indices = @transform_5, window_bounds = array<i64: 3, 256>}, {pipeline_mode = #tpu.pipeline_mode<synchronous>, transform_indices = @transform_6, window_bounds = array<i64: 256, 3>}, {pipeline_mode = #tpu.pipeline_mode<synchronous>, transform_indices = @transform_7, window_bounds = array<i64: 3, 16, 512>}, {pipeline_mode = #tpu.pipeline_mode<synchronous>, transform_indices = @transform_8, window_bounds = array<i64: 16, 512>}, {pipeline_mode = #tpu.pipeline_mode<synchronous>, transform_indices = @transform_9, window_bounds = array<i64: 512, 16>}, {pipeline_mode = #tpu.pipeline_mode<synchronous>, transform_indices = @transform_10, window_bounds = array<i64: 256, 64>}, {pipeline_mode = #tpu.pipeline_mode<synchronous>, transform_indices = @transform_11, window_bounds = array<i64: 64, 256>}, {transform_indices = @transform_12, window_bounds = array<i64: 1, 2, 256, 256>}]} {
    %get3A = arith.constant 0 : index
    %get3A_0 = arith.constant 0 : index
    %get3A_1 = arith.constant 0 : index
    %get3A_2 = vector.load %arg1[%get3A, %get3A_0, %get3A_1] : memref<1x256x3072xf32, #tpu.memory_space<vmem>>, vector<1x256x3072xf32>
    %get3A_3 = vector.shape_cast %get3A_2 : vector<1x256x3072xf32> to vector<256x3072xf32>
    %get3A_4 = arith.constant 0 : index
    %get3A_5 = arith.constant 0 : index
    %get3A_6 = vector.load %arg3[%get3A_4, %get3A_5] : memref<3072x128xf32, #tpu.memory_space<vmem>>, vector<3072x128xf32>
    %dot_general3A = arith.constant dense<0.000000e+00> : vector<256x128xf32>
    %dot_general3A_7 = tpu.matmul %get3A_3, %get3A_6, %dot_general3A {dimension_numbers = #tpu.dot_dimension_numbers<[1], [0], [0], [1], [0, 0, 1, 1], [], []>, precision = #tpu.contract_precision<fp32>, transpose_lhs_hint = false} : vector<256x3072xf32>, vector<3072x128xf32>, vector<256x128xf32> -> vector<256x128xf32>
    %get3A_8 = arith.constant 0 : index
    %get3A_9 = arith.constant 0 : index
    %get3A_10 = vector.load %arg4[%get3A_8, %get3A_9] : memref<1x128xf32, #tpu.memory_space<vmem>>, vector<1x128xf32>
    %add3A = vector.broadcast %get3A_10 : vector<1x128xf32> to vector<256x128xf32>
    %add3A_11 = arith.addf %dot_general3A_7, %add3A : vector<256x128xf32>
    %get3A_12 = arith.constant 0 : index
    %get3A_13 = arith.constant 0 : index
    %get3A_14 = vector.load %arg5[%get3A_12, %get3A_13] : memref<2x128xf32, #tpu.memory_space<vmem>>, vector<2x128xf32>
    %dot_general3A_15 = arith.constant dense<0.000000e+00> : vector<2x256xf32>
    %dot_general3A_16 = tpu.matmul %get3A_14, %add3A_11, %dot_general3A_15 {dimension_numbers = #tpu.dot_dimension_numbers<[1], [1], [0], [0], [0, 0, 1, 0], [], []>, precision = #tpu.contract_precision<fp32>, transpose_lhs_hint = false} : vector<2x128xf32>, vector<256x128xf32>, vector<2x256xf32> -> vector<2x256xf32>
    %get3A_17 = arith.constant 0 : index
    %get3A_18 = arith.constant 0 : index
    %get3A_19 = arith.constant 0 : index
    %get3A_20 = vector.load %arg8[%get3A_17, %get3A_18, %get3A_19] : memref<3x16x512xf32, #tpu.memory_space<vmem>>, vector<1x16x512xf32>
    %get3A_21 = vector.shape_cast %get3A_20 : vector<1x16x512xf32> to vector<16x512xf32>
    %get3A_22 = arith.constant 0 : index
    %get3A_23 = arith.constant 0 : index
    %get3A_24 = arith.constant 0 : index
    %get3A_25 = arith.constant 0 : index
    %get3A_26 = vector.load %arg2[%get3A_22, %get3A_23, %get3A_24, %get3A_25] : memref<1x3x512x512xf32, #tpu.memory_space<vmem>>, vector<1x1x512x512xf32>
    %get3A_27 = vector.shape_cast %get3A_26 : vector<1x1x512x512xf32> to vector<512x512xf32>
    %dot_general3A_28 = arith.constant dense<0.000000e+00> : vector<16x512xf32>
    %dot_general3A_29 = tpu.matmul %get3A_21, %get3A_27, %dot_general3A_28 {dimension_numbers = #tpu.dot_dimension_numbers<[1], [0], [0], [1], [0, 0, 1, 1], [], []>, precision = #tpu.contract_precision<fp32>, transpose_lhs_hint = false} : vector<16x512xf32>, vector<512x512xf32>, vector<16x512xf32> -> vector<16x512xf32>
    %get3A_30 = arith.constant 1 : index
    %get3A_31 = arith.constant 0 : index
    %get3A_32 = arith.constant 0 : index
    %get3A_33 = vector.load %arg8[%get3A_30, %get3A_31, %get3A_32] : memref<3x16x512xf32, #tpu.memory_space<vmem>>, vector<1x16x512xf32>
    %get3A_34 = vector.shape_cast %get3A_33 : vector<1x16x512xf32> to vector<16x512xf32>
    %get3A_35 = arith.constant 0 : index
    %get3A_36 = arith.constant 1 : index
    %get3A_37 = arith.constant 0 : index
    %get3A_38 = arith.constant 0 : index
    %get3A_39 = vector.load %arg2[%get3A_35, %get3A_36, %get3A_37, %get3A_38] : memref<1x3x512x512xf32, #tpu.memory_space<vmem>>, vector<1x1x512x512xf32>
    %get3A_40 = vector.shape_cast %get3A_39 : vector<1x1x512x512xf32> to vector<512x512xf32>
    %dot_general3A_41 = arith.constant dense<0.000000e+00> : vector<16x512xf32>
    %dot_general3A_42 = tpu.matmul %get3A_34, %get3A_40, %dot_general3A_41 {dimension_numbers = #tpu.dot_dimension_numbers<[1], [0], [0], [1], [0, 0, 1, 1], [], []>, precision = #tpu.contract_precision<fp32>, transpose_lhs_hint = false} : vector<16x512xf32>, vector<512x512xf32>, vector<16x512xf32> -> vector<16x512xf32>
    %add3A_43 = arith.addf %dot_general3A_29, %dot_general3A_42 : vector<16x512xf32>
    %get3A_44 = arith.constant 2 : index
    %get3A_45 = arith.constant 0 : index
    %get3A_46 = arith.constant 0 : index
    %get3A_47 = vector.load %arg8[%get3A_44, %get3A_45, %get3A_46] : memref<3x16x512xf32, #tpu.memory_space<vmem>>, vector<1x16x512xf32>
    %get3A_48 = vector.shape_cast %get3A_47 : vector<1x16x512xf32> to vector<16x512xf32>
    %get3A_49 = arith.constant 0 : index
    %get3A_50 = arith.constant 2 : index
    %get3A_51 = arith.constant 0 : index
    %get3A_52 = arith.constant 0 : index
    %get3A_53 = vector.load %arg2[%get3A_49, %get3A_50, %get3A_51, %get3A_52] : memref<1x3x512x512xf32, #tpu.memory_space<vmem>>, vector<1x1x512x512xf32>
    %get3A_54 = vector.shape_cast %get3A_53 : vector<1x1x512x512xf32> to vector<512x512xf32>
    %dot_general3A_55 = arith.constant dense<0.000000e+00> : vector<16x512xf32>
    %dot_general3A_56 = tpu.matmul %get3A_48, %get3A_54, %dot_general3A_55 {dimension_numbers = #tpu.dot_dimension_numbers<[1], [0], [0], [1], [0, 0, 1, 1], [], []>, precision = #tpu.contract_precision<fp32>, transpose_lhs_hint = false} : vector<16x512xf32>, vector<512x512xf32>, vector<16x512xf32> -> vector<16x512xf32>
    %add3A_57 = arith.addf %add3A_43, %dot_general3A_56 : vector<16x512xf32>
    %get3A_58 = arith.constant 0 : index
    %get3A_59 = arith.constant 0 : index
    %get3A_60 = vector.load %arg10[%get3A_58, %get3A_59] : memref<512x16xf32, #tpu.memory_space<vmem>>, vector<512x16xf32>
    %dot_general3A_61 = arith.constant dense<0.000000e+00> : vector<16x16xf32>
    %dot_general3A_62 = tpu.matmul %add3A_57, %get3A_60, %dot_general3A_61 {dimension_numbers = #tpu.dot_dimension_numbers<[1], [0], [0], [1], [0, 0, 1, 1], [], []>, precision = #tpu.contract_precision<fp32>, transpose_lhs_hint = false} : vector<16x512xf32>, vector<512x16xf32>, vector<16x16xf32> -> vector<16x16xf32>
    %get3A_63 = arith.constant 0 : index
    %get3A_64 = arith.constant 0 : index
    %get3A_65 = vector.load %arg9[%get3A_63, %get3A_64] : memref<16x512xf32, #tpu.memory_space<vmem>>, vector<16x512xf32>
    %dot_general3A_66 = arith.constant dense<0.000000e+00> : vector<16x16xf32>
    %dot_general3A_67 = tpu.matmul %get3A_65, %add3A_57, %dot_general3A_66 {dimension_numbers = #tpu.dot_dimension_numbers<[1], [1], [0], [0], [0, 0, 1, 0], [], []>, precision = #tpu.contract_precision<fp32>, transpose_lhs_hint = false} : vector<16x512xf32>, vector<16x512xf32>, vector<16x16xf32> -> vector<16x16xf32>
    %slice3A = vector.extract_strided_slice %dot_general3A_62 {offsets = [0, 0], sizes = [1, 16], strides = [1, 1]} : vector<16x16xf32> to vector<1x16xf32>
    %slice3A_68 = vector.extract_strided_slice %dot_general3A_62 {offsets = [1, 0], sizes = [1, 16], strides = [1, 1]} : vector<16x16xf32> to vector<1x16xf32>
    %slice3A_69 = vector.extract_strided_slice %dot_general3A_62 {offsets = [2, 0], sizes = [1, 16], strides = [1, 1]} : vector<16x16xf32> to vector<1x16xf32>
    %slice3A_70 = vector.extract_strided_slice %dot_general3A_62 {offsets = [3, 0], sizes = [1, 16], strides = [1, 1]} : vector<16x16xf32> to vector<1x16xf32>
    %slice3A_71 = vector.extract_strided_slice %dot_general3A_62 {offsets = [4, 0], sizes = [1, 16], strides = [1, 1]} : vector<16x16xf32> to vector<1x16xf32>
    %slice3A_72 = vector.extract_strided_slice %dot_general3A_62 {offsets = [5, 0], sizes = [1, 16], strides = [1, 1]} : vector<16x16xf32> to vector<1x16xf32>
    %slice3A_73 = vector.extract_strided_slice %dot_general3A_62 {offsets = [6, 0], sizes = [1, 16], strides = [1, 1]} : vector<16x16xf32> to vector<1x16xf32>
    %slice3A_74 = vector.extract_strided_slice %dot_general3A_62 {offsets = [7, 0], sizes = [1, 16], strides = [1, 1]} : vector<16x16xf32> to vector<1x16xf32>
    %slice3A_75 = vector.extract_strided_slice %dot_general3A_62 {offsets = [8, 0], sizes = [1, 16], strides = [1, 1]} : vector<16x16xf32> to vector<1x16xf32>
    %slice3A_76 = vector.extract_strided_slice %dot_general3A_62 {offsets = [9, 0], sizes = [1, 16], strides = [1, 1]} : vector<16x16xf32> to vector<1x16xf32>
    %slice3A_77 = vector.extract_strided_slice %dot_general3A_62 {offsets = [10, 0], sizes = [1, 16], strides = [1, 1]} : vector<16x16xf32> to vector<1x16xf32>
    %slice3A_78 = vector.extract_strided_slice %dot_general3A_62 {offsets = [11, 0], sizes = [1, 16], strides = [1, 1]} : vector<16x16xf32> to vector<1x16xf32>
    %slice3A_79 = vector.extract_strided_slice %dot_general3A_62 {offsets = [12, 0], sizes = [1, 16], strides = [1, 1]} : vector<16x16xf32> to vector<1x16xf32>
    %slice3A_80 = vector.extract_strided_slice %dot_general3A_62 {offsets = [13, 0], sizes = [1, 16], strides = [1, 1]} : vector<16x16xf32> to vector<1x16xf32>
    %slice3A_81 = vector.extract_strided_slice %dot_general3A_62 {offsets = [14, 0], sizes = [1, 16], strides = [1, 1]} : vector<16x16xf32> to vector<1x16xf32>
    %slice3A_82 = vector.extract_strided_slice %dot_general3A_62 {offsets = [15, 0], sizes = [1, 16], strides = [1, 1]} : vector<16x16xf32> to vector<1x16xf32>
    %concatenate3A = tpu.concatenate %slice3A, %slice3A_68, %slice3A_69, %slice3A_70, %slice3A_71, %slice3A_72, %slice3A_73, %slice3A_74, %slice3A_75, %slice3A_76, %slice3A_77, %slice3A_78, %slice3A_79, %slice3A_80, %slice3A_81, %slice3A_82 in 1 : vector<1x16xf32>, vector<1x16xf32>, vector<1x16xf32>, vector<1x16xf32>, vector<1x16xf32>, vector<1x16xf32>, vector<1x16xf32>, vector<1x16xf32>, vector<1x16xf32>, vector<1x16xf32>, vector<1x16xf32>, vector<1x16xf32>, vector<1x16xf32>, vector<1x16xf32>, vector<1x16xf32>, vector<1x16xf32> -> vector<1x256xf32>
    %slice3A_83 = vector.extract_strided_slice %dot_general3A_67 {offsets = [0, 0], sizes = [16, 1], strides = [1, 1]} : vector<16x16xf32> to vector<16x1xf32>
    %slice3A_84 = vector.extract_strided_slice %dot_general3A_67 {offsets = [0, 1], sizes = [16, 1], strides = [1, 1]} : vector<16x16xf32> to vector<16x1xf32>
    %slice3A_85 = vector.extract_strided_slice %dot_general3A_67 {offsets = [0, 2], sizes = [16, 1], strides = [1, 1]} : vector<16x16xf32> to vector<16x1xf32>
    %slice3A_86 = vector.extract_strided_slice %dot_general3A_67 {offsets = [0, 3], sizes = [16, 1], strides = [1, 1]} : vector<16x16xf32> to vector<16x1xf32>
    %slice3A_87 = vector.extract_strided_slice %dot_general3A_67 {offsets = [0, 4], sizes = [16, 1], strides = [1, 1]} : vector<16x16xf32> to vector<16x1xf32>
    %slice3A_88 = vector.extract_strided_slice %dot_general3A_67 {offsets = [0, 5], sizes = [16, 1], strides = [1, 1]} : vector<16x16xf32> to vector<16x1xf32>
    %slice3A_89 = vector.extract_strided_slice %dot_general3A_67 {offsets = [0, 6], sizes = [16, 1], strides = [1, 1]} : vector<16x16xf32> to vector<16x1xf32>
    %slice3A_90 = vector.extract_strided_slice %dot_general3A_67 {offsets = [0, 7], sizes = [16, 1], strides = [1, 1]} : vector<16x16xf32> to vector<16x1xf32>
    %slice3A_91 = vector.extract_strided_slice %dot_general3A_67 {offsets = [0, 8], sizes = [16, 1], strides = [1, 1]} : vector<16x16xf32> to vector<16x1xf32>
    %slice3A_92 = vector.extract_strided_slice %dot_general3A_67 {offsets = [0, 9], sizes = [16, 1], strides = [1, 1]} : vector<16x16xf32> to vector<16x1xf32>
    %slice3A_93 = vector.extract_strided_slice %dot_general3A_67 {offsets = [0, 10], sizes = [16, 1], strides = [1, 1]} : vector<16x16xf32> to vector<16x1xf32>
    %slice3A_94 = vector.extract_strided_slice %dot_general3A_67 {offsets = [0, 11], sizes = [16, 1], strides = [1, 1]} : vector<16x16xf32> to vector<16x1xf32>
    %slice3A_95 = vector.extract_strided_slice %dot_general3A_67 {offsets = [0, 12], sizes = [16, 1], strides = [1, 1]} : vector<16x16xf32> to vector<16x1xf32>
    %slice3A_96 = vector.extract_strided_slice %dot_general3A_67 {offsets = [0, 13], sizes = [16, 1], strides = [1, 1]} : vector<16x16xf32> to vector<16x1xf32>
    %slice3A_97 = vector.extract_strided_slice %dot_general3A_67 {offsets = [0, 14], sizes = [16, 1], strides = [1, 1]} : vector<16x16xf32> to vector<16x1xf32>
    %slice3A_98 = vector.extract_strided_slice %dot_general3A_67 {offsets = [0, 15], sizes = [16, 1], strides = [1, 1]} : vector<16x16xf32> to vector<16x1xf32>
    %concatenate3A_99 = tpu.concatenate %slice3A_83, %slice3A_84, %slice3A_85, %slice3A_86, %slice3A_87, %slice3A_88, %slice3A_89, %slice3A_90, %slice3A_91, %slice3A_92, %slice3A_93, %slice3A_94, %slice3A_95, %slice3A_96, %slice3A_97, %slice3A_98 in 0 : vector<16x1xf32>, vector<16x1xf32>, vector<16x1xf32>, vector<16x1xf32>, vector<16x1xf32>, vector<16x1xf32>, vector<16x1xf32>, vector<16x1xf32>, vector<16x1xf32>, vector<16x1xf32>, vector<16x1xf32>, vector<16x1xf32>, vector<16x1xf32>, vector<16x1xf32>, vector<16x1xf32>, vector<16x1xf32> -> vector<256x1xf32>
    %get3A_100 = arith.constant 0 : index
    %get3A_101 = arith.constant 0 : index
    %get3A_102 = vector.load %arg6[%get3A_100, %get3A_101] : memref<3x256xf32, #tpu.memory_space<vmem>>, vector<1x256xf32>
    %get3A_103 = arith.constant 1 : index
    %get3A_104 = arith.constant 0 : index
    %get3A_105 = vector.load %arg6[%get3A_103, %get3A_104] : memref<3x256xf32, #tpu.memory_space<vmem>>, vector<1x256xf32>
    %get3A_106 = arith.constant 2 : index
    %get3A_107 = arith.constant 0 : index
    %get3A_108 = vector.load %arg6[%get3A_106, %get3A_107] : memref<3x256xf32, #tpu.memory_space<vmem>>, vector<1x256xf32>
    %mul3A = arith.mulf %concatenate3A, %get3A_102 : vector<1x256xf32>
    %mul3A_109 = arith.mulf %concatenate3A, %get3A_105 : vector<1x256xf32>
    %add3A_110 = arith.constant 1.000000e+00 : f32
    %add3A_111 = vector.broadcast %add3A_110 : f32 to vector<1x256xf32>
    %add3A_112 = arith.addf %mul3A_109, %add3A_111 : vector<1x256xf32>
    %mul3A_113 = arith.mulf %concatenate3A, %get3A_108 : vector<1x256xf32>
    %div3A = arith.constant 5.000000e-02 : f32
    %div3A_114 = vector.broadcast %div3A : f32 to vector<1x256xf32>
    %div3A_115 = arith.divf %mul3A, %div3A_114 : vector<1x256xf32>
    %floor3A = math.floor %div3A_115 : vector<1x256xf32>
    %convert_element_type3A = arith.fptosi %floor3A : vector<1x256xf32> to vector<1x256xi32>
    %add3A_116 = arith.constant 32 : i32
    %add3A_117 = vector.broadcast %add3A_116 : i32 to vector<1x256xi32>
    %add3A_118 = arith.addi %convert_element_type3A, %add3A_117 : vector<1x256xi32>
    %div3A_119 = arith.constant 5.000000e-02 : f32
    %div3A_120 = vector.broadcast %div3A_119 : f32 to vector<1x256xf32>
    %div3A_121 = arith.divf %add3A_112, %div3A_120 : vector<1x256xf32>
    %floor3A_122 = math.floor %div3A_121 : vector<1x256xf32>
    %convert_element_type3A_123 = arith.fptosi %floor3A_122 : vector<1x256xf32> to vector<1x256xi32>
    %div3A_124 = arith.constant 5.000000e-02 : f32
    %div3A_125 = vector.broadcast %div3A_124 : f32 to vector<1x256xf32>
    %div3A_126 = arith.divf %mul3A_113, %div3A_125 : vector<1x256xf32>
    %floor3A_127 = math.floor %div3A_126 : vector<1x256xf32>
    %convert_element_type3A_128 = arith.fptosi %floor3A_127 : vector<1x256xf32> to vector<1x256xi32>
    %add3A_129 = arith.constant 64 : i32
    %add3A_130 = vector.broadcast %add3A_129 : i32 to vector<1x256xi32>
    %add3A_131 = arith.addi %convert_element_type3A_128, %add3A_130 : vector<1x256xi32>
    %ge3A = arith.constant 0 : i32
    %ge3A_132 = vector.broadcast %ge3A : i32 to vector<1x256xi32>
    %ge3A_133 = arith.cmpi sge, %add3A_118, %ge3A_132 : vector<1x256xi32>
    %lt3A = arith.constant 64 : i32
    %lt3A_134 = vector.broadcast %lt3A : i32 to vector<1x256xi32>
    %lt3A_135 = arith.cmpi slt, %add3A_118, %lt3A_134 : vector<1x256xi32>
    %and3A = arith.andi %ge3A_133, %lt3A_135 : vector<1x256xi1>
    %ge3A_136 = arith.constant 0 : i32
    %ge3A_137 = vector.broadcast %ge3A_136 : i32 to vector<1x256xi32>
    %ge3A_138 = arith.cmpi sge, %add3A_131, %ge3A_137 : vector<1x256xi32>
    %and3A_139 = arith.andi %and3A, %ge3A_138 : vector<1x256xi1>
    %lt3A_140 = arith.constant 64 : i32
    %lt3A_141 = vector.broadcast %lt3A_140 : i32 to vector<1x256xi32>
    %lt3A_142 = arith.cmpi slt, %add3A_131, %lt3A_141 : vector<1x256xi32>
    %and3A_143 = arith.andi %and3A_139, %lt3A_142 : vector<1x256xi1>
    %lt3A_144 = arith.constant 39 : i32
    %lt3A_145 = vector.broadcast %lt3A_144 : i32 to vector<1x256xi32>
    %lt3A_146 = arith.cmpi slt, %convert_element_type3A_123, %lt3A_145 : vector<1x256xi32>
    %and3A_147 = arith.andi %and3A_143, %lt3A_146 : vector<1x256xi1>
    %get3A_148 = arith.constant 0 : index
    %get3A_149 = arith.constant 0 : index
    %get3A_150 = vector.load %arg7[%get3A_148, %get3A_149] : memref<256x3xf32, #tpu.memory_space<vmem>>, vector<256x1xf32>
    %get3A_151 = arith.constant 0 : index
    %get3A_152 = arith.constant 1 : index
    %get3A_153 = vector.load %arg7[%get3A_151, %get3A_152] : memref<256x3xf32, #tpu.memory_space<vmem>>, vector<256x1xf32>
    %get3A_154 = arith.constant 0 : index
    %get3A_155 = arith.constant 2 : index
    %get3A_156 = vector.load %arg7[%get3A_154, %get3A_155] : memref<256x3xf32, #tpu.memory_space<vmem>>, vector<256x1xf32>
    %mul3A_157 = arith.mulf %concatenate3A_99, %get3A_150 : vector<256x1xf32>
    %mul3A_158 = arith.mulf %concatenate3A_99, %get3A_153 : vector<256x1xf32>
    %add3A_159 = arith.constant 1.000000e+00 : f32
    %add3A_160 = vector.broadcast %add3A_159 : f32 to vector<256x1xf32>
    %add3A_161 = arith.addf %mul3A_158, %add3A_160 : vector<256x1xf32>
    %mul3A_162 = arith.mulf %concatenate3A_99, %get3A_156 : vector<256x1xf32>
    %div3A_163 = arith.constant 5.000000e-02 : f32
    %div3A_164 = vector.broadcast %div3A_163 : f32 to vector<256x1xf32>
    %div3A_165 = arith.divf %mul3A_157, %div3A_164 : vector<256x1xf32>
    %floor3A_166 = math.floor %div3A_165 : vector<256x1xf32>
    %convert_element_type3A_167 = arith.fptosi %floor3A_166 : vector<256x1xf32> to vector<256x1xi32>
    %add3A_168 = arith.constant 32 : i32
    %add3A_169 = vector.broadcast %add3A_168 : i32 to vector<256x1xi32>
    %add3A_170 = arith.addi %convert_element_type3A_167, %add3A_169 : vector<256x1xi32>
    %div3A_171 = arith.constant 5.000000e-02 : f32
    %div3A_172 = vector.broadcast %div3A_171 : f32 to vector<256x1xf32>
    %div3A_173 = arith.divf %add3A_161, %div3A_172 : vector<256x1xf32>
    %floor3A_174 = math.floor %div3A_173 : vector<256x1xf32>
    %convert_element_type3A_175 = arith.fptosi %floor3A_174 : vector<256x1xf32> to vector<256x1xi32>
    %div3A_176 = arith.constant 5.000000e-02 : f32
    %div3A_177 = vector.broadcast %div3A_176 : f32 to vector<256x1xf32>
    %div3A_178 = arith.divf %mul3A_162, %div3A_177 : vector<256x1xf32>
    %floor3A_179 = math.floor %div3A_178 : vector<256x1xf32>
    %convert_element_type3A_180 = arith.fptosi %floor3A_179 : vector<256x1xf32> to vector<256x1xi32>
    %add3A_181 = arith.constant 64 : i32
    %add3A_182 = vector.broadcast %add3A_181 : i32 to vector<256x1xi32>
    %add3A_183 = arith.addi %convert_element_type3A_180, %add3A_182 : vector<256x1xi32>
    %mul3A_184 = arith.constant 64 : i32
    %mul3A_185 = vector.broadcast %mul3A_184 : i32 to vector<1x256xi32>
    %mul3A_186 = arith.muli %add3A_131, %mul3A_185 : vector<1x256xi32>
    %add3A_187 = arith.addi %mul3A_186, %add3A_118 : vector<1x256xi32>
    %jit3A = arith.constant -1 : i32
    %broadcast_in_dim3A = vector.broadcast %jit3A : i32 to vector<1x256xi32>
    %select_n3A = arith.select %and3A_147, %add3A_187, %broadcast_in_dim3A : vector<1x256xi1>, vector<1x256xi32>
    %mul3A_188 = arith.constant 64 : i32
    %mul3A_189 = vector.broadcast %mul3A_188 : i32 to vector<256x1xi32>
    %mul3A_190 = arith.muli %add3A_183, %mul3A_189 : vector<256x1xi32>
    %add3A_191 = arith.addi %mul3A_190, %add3A_170 : vector<256x1xi32>
    %eq3A = vector.broadcast %add3A_191 : vector<256x1xi32> to vector<256x256xi32>
    %eq3A_192 = vector.broadcast %select_n3A : vector<1x256xi32> to vector<256x256xi32>
    %eq3A_193 = arith.cmpi eq, %eq3A, %eq3A_192 : vector<256x256xi32>
    %gt3A = vector.broadcast %convert_element_type3A_175 : vector<256x1xi32> to vector<256x256xi32>
    %gt3A_194 = vector.broadcast %convert_element_type3A_123 : vector<1x256xi32> to vector<256x256xi32>
    %gt3A_195 = arith.cmpi sgt, %gt3A, %gt3A_194 : vector<256x256xi32>
    %and3A_196 = arith.andi %eq3A_193, %gt3A_195 : vector<256x256xi1>
    %convert_element_type3A_197 = arith.extui %and3A_196 : vector<256x256xi1> to vector<256x256xi32>
    %convert_element_type3A_198 = arith.sitofp %convert_element_type3A_197 : vector<256x256xi32> to vector<256x256xf32>
    %reduce_max3A = arith.constant dense<0xFF800000> : vector<256xf32>
    %reduce_max3A_199 = vector.multi_reduction <maximumf>, %convert_element_type3A_198, %reduce_max3A [0] : vector<256x256xf32> to vector<256xf32>
    %broadcast_in_dim3A_200 = vector.shape_cast %reduce_max3A_199 : vector<256xf32> to vector<1x256xf32>
    %lt3A_201 = arith.constant 5.000000e-01 : f32
    %lt3A_202 = vector.broadcast %lt3A_201 : f32 to vector<1x256xf32>
    %lt3A_203 = arith.cmpf olt, %broadcast_in_dim3A_200, %lt3A_202 : vector<1x256xf32>
    %and3A_204 = arith.andi %and3A_147, %lt3A_203 : vector<1x256xi1>
    %jit3A_205 = arith.constant 1.000000e+00 : f32
    %jit3A_206 = arith.constant 0.000000e+00 : f32
    %broadcast_in_dim3A_207 = vector.broadcast %jit3A_205 : f32 to vector<1x256xf32>
    %broadcast_in_dim3A_208 = vector.broadcast %jit3A_206 : f32 to vector<1x256xf32>
    %select_n3A_209 = arith.select %and3A_204, %broadcast_in_dim3A_207, %broadcast_in_dim3A_208 : vector<1x256xi1>, vector<1x256xf32>
    %iota3A = tpu.iota {dimensions = array<i32: 0>} : vector<64x256xi32>
    %eq3A_210 = vector.broadcast %add3A_131 : vector<1x256xi32> to vector<64x256xi32>
    %eq3A_211 = arith.cmpi eq, %iota3A, %eq3A_210 : vector<64x256xi32>
    %convert_element_type3A_212 = arith.extui %eq3A_211 : vector<64x256xi1> to vector<64x256xi32>
    %convert_element_type3A_213 = arith.sitofp %convert_element_type3A_212 : vector<64x256xi32> to vector<64x256xf32>
    %eq3A_214 = vector.broadcast %add3A_118 : vector<1x256xi32> to vector<64x256xi32>
    %eq3A_215 = arith.cmpi eq, %iota3A, %eq3A_214 : vector<64x256xi32>
    %convert_element_type3A_216 = arith.extui %eq3A_215 : vector<64x256xi1> to vector<64x256xi32>
    %convert_element_type3A_217 = arith.sitofp %convert_element_type3A_216 : vector<64x256xi32> to vector<64x256xf32>
    %slice3A_218 = vector.extract_strided_slice %dot_general3A_16 {offsets = [0, 0], sizes = [1, 256], strides = [1, 1]} : vector<2x256xf32> to vector<1x256xf32>
    %mul3A_219 = arith.mulf %slice3A_218, %select_n3A_209 : vector<1x256xf32>
    %mul3A_220 = vector.broadcast %mul3A_219 : vector<1x256xf32> to vector<64x256xf32>
    %mul3A_221 = arith.mulf %convert_element_type3A_213, %mul3A_220 : vector<64x256xf32>
    %dot_general3A_222 = arith.constant dense<0.000000e+00> : vector<64x64xf32>
    %dot_general3A_223 = tpu.matmul %mul3A_221, %convert_element_type3A_217, %dot_general3A_222 {dimension_numbers = #tpu.dot_dimension_numbers<[1], [1], [0], [0], [0, 0, 1, 0], [], []>, precision = #tpu.contract_precision<fp32>, transpose_lhs_hint = false} : vector<64x256xf32>, vector<64x256xf32>, vector<64x64xf32> -> vector<64x64xf32>
    %get3A_224 = arith.constant 0 : index
    %get3A_225 = arith.constant 0 : index
    %get3A_226 = vector.load %arg11[%get3A_224, %get3A_225] : memref<256x64xf32, #tpu.memory_space<vmem>>, vector<256x64xf32>
    %dot_general3A_227 = arith.constant dense<0.000000e+00> : vector<256x64xf32>
    %dot_general3A_228 = tpu.matmul %get3A_226, %dot_general3A_223, %dot_general3A_227 {dimension_numbers = #tpu.dot_dimension_numbers<[1], [0], [0], [1], [0, 0, 1, 1], [], []>, precision = #tpu.contract_precision<fp32>, transpose_lhs_hint = false} : vector<256x64xf32>, vector<64x64xf32>, vector<256x64xf32> -> vector<256x64xf32>
    %get3A_229 = arith.constant 0 : index
    %get3A_230 = arith.constant 0 : index
    %get3A_231 = vector.load %arg12[%get3A_229, %get3A_230] : memref<64x256xf32, #tpu.memory_space<vmem>>, vector<64x256xf32>
    %dot_general3A_232 = arith.constant dense<0.000000e+00> : vector<256x256xf32>
    %dot_general3A_233 = tpu.matmul %dot_general3A_228, %get3A_231, %dot_general3A_232 {dimension_numbers = #tpu.dot_dimension_numbers<[1], [0], [0], [1], [0, 0, 1, 1], [], []>, precision = #tpu.contract_precision<fp32>, transpose_lhs_hint = false} : vector<256x64xf32>, vector<64x256xf32>, vector<256x256xf32> -> vector<256x256xf32>
    %swap3A = arith.constant 0 : index
    %swap3A_234 = arith.constant 0 : index
    %swap3A_235 = arith.constant 0 : index
    %swap3A_236 = arith.constant 0 : index
    %swap3A_237 = vector.load %arg13[%swap3A, %swap3A_234, %swap3A_235, %swap3A_236] : memref<1x2x256x256xf32, #tpu.memory_space<vmem>>, vector<1x1x256x256xf32>
    %swap3A_238 = vector.shape_cast %swap3A_237 : vector<1x1x256x256xf32> to vector<256x256xf32>
    %swap3A_239 = vector.shape_cast %dot_general3A_233 : vector<256x256xf32> to vector<1x1x256x256xf32>
    tpu.vector_store %arg13[%swap3A, %swap3A_234, %swap3A_235, %swap3A_236], %swap3A_239 {strides = array<i32>} : memref<1x2x256x256xf32, #tpu.memory_space<vmem>>, vector<1x1x256x256xf32>,
    %slice3A_240 = vector.extract_strided_slice %dot_general3A_16 {offsets = [1, 0], sizes = [1, 256], strides = [1, 1]} : vector<2x256xf32> to vector<1x256xf32>
    %mul3A_241 = arith.mulf %slice3A_240, %select_n3A_209 : vector<1x256xf32>
    %mul3A_242 = vector.broadcast %mul3A_241 : vector<1x256xf32> to vector<64x256xf32>
    %mul3A_243 = arith.mulf %convert_element_type3A_213, %mul3A_242 : vector<64x256xf32>
    %dot_general3A_244 = arith.constant dense<0.000000e+00> : vector<64x64xf32>
    %dot_general3A_245 = tpu.matmul %mul3A_243, %convert_element_type3A_217, %dot_general3A_244 {dimension_numbers = #tpu.dot_dimension_numbers<[1], [1], [0], [0], [0, 0, 1, 0], [], []>, precision = #tpu.contract_precision<fp32>, transpose_lhs_hint = false} : vector<64x256xf32>, vector<64x256xf32>, vector<64x64xf32> -> vector<64x64xf32>
    %get3A_246 = arith.constant 0 : index
    %get3A_247 = arith.constant 0 : index
    %get3A_248 = vector.load %arg11[%get3A_246, %get3A_247] : memref<256x64xf32, #tpu.memory_space<vmem>>, vector<256x64xf32>
    %dot_general3A_249 = arith.constant dense<0.000000e+00> : vector<256x64xf32>
    %dot_general3A_250 = tpu.matmul %get3A_248, %dot_general3A_245, %dot_general3A_249 {dimension_numbers = #tpu.dot_dimension_numbers<[1], [0], [0], [1], [0, 0, 1, 1], [], []>, precision = #tpu.contract_precision<fp32>, transpose_lhs_hint = false} : vector<256x64xf32>, vector<64x64xf32>, vector<256x64xf32> -> vector<256x64xf32>
    %get3A_251 = arith.constant 0 : index
    %get3A_252 = arith.constant 0 : index
    %get3A_253 = vector.load %arg12[%get3A_251, %get3A_252] : memref<64x256xf32, #tpu.memory_space<vmem>>, vector<64x256xf32>
    %dot_general3A_254 = arith.constant dense<0.000000e+00> : vector<256x256xf32>
    %dot_general3A_255 = tpu.matmul %dot_general3A_250, %get3A_253, %dot_general3A_254 {dimension_numbers = #tpu.dot_dimension_numbers<[1], [0], [0], [1], [0, 0, 1, 1], [], []>, precision = #tpu.contract_precision<fp32>, transpose_lhs_hint = false} : vector<256x64xf32>, vector<64x256xf32>, vector<256x256xf32> -> vector<256x256xf32>
    %swap3A_256 = arith.constant 0 : index
    %swap3A_257 = arith.constant 1 : index
    %swap3A_258 = arith.constant 0 : index
    %swap3A_259 = arith.constant 0 : index
    %swap3A_260 = vector.load %arg13[%swap3A_256, %swap3A_257, %swap3A_258, %swap3A_259] : memref<1x2x256x256xf32, #tpu.memory_space<vmem>>, vector<1x1x256x256xf32>
    %swap3A_261 = vector.shape_cast %swap3A_260 : vector<1x1x256x256xf32> to vector<256x256xf32>
    %swap3A_262 = vector.shape_cast %dot_general3A_255 : vector<256x256xf32> to vector<1x1x256x256xf32>
    tpu.vector_store %arg13[%swap3A_256, %swap3A_257, %swap3A_258, %swap3A_259], %swap3A_262 {strides = array<i32>} : memref<1x2x256x256xf32, #tpu.memory_space<vmem>>, vector<1x1x256x256xf32>,
    return
  }
  func.func @transform_0(%arg0: i32) -> (i32, i32, i32) {
    %c0_i32 = arith.constant 0 : i32
    %c0_i32_0 = arith.constant 0 : i32
    %c0_i32_1 = arith.constant 0 : i32
    return %arg0, %c0_i32, %c0_i32_0 : i32, i32, i32
  }
  func.func @transform_1(%arg0: i32) -> (i32, i32, i32, i32) {
    %c0_i32 = arith.constant 0 : i32
    %c0_i32_0 = arith.constant 0 : i32
    %c0_i32_1 = arith.constant 0 : i32
    %c0_i32_2 = arith.constant 0 : i32
    return %arg0, %c0_i32, %c0_i32_0, %c0_i32_1 : i32, i32, i32, i32
  }
  func.func @transform_2(%arg0: i32) -> (i32, i32) {
    %c0_i32 = arith.constant 0 : i32
    %c0_i32_0 = arith.constant 0 : i32
    %c0_i32_1 = arith.constant 0 : i32
    return %c0_i32, %c0_i32_0 : i32, i32
  }
  func.func @transform_3(%arg0: i32) -> (i32, i32) {
    %c0_i32 = arith.constant 0 : i32
    %c0_i32_0 = arith.constant 0 : i32
    %c0_i32_1 = arith.constant 0 : i32
    return %c0_i32, %c0_i32_0 : i32, i32
  }
  func.func @transform_4(%arg0: i32) -> (i32, i32) {
    %c0_i32 = arith.constant 0 : i32
    %c0_i32_0 = arith.constant 0 : i32
    %c0_i32_1 = arith.constant 0 : i32
    return %c0_i32, %c0_i32_0 : i32, i32
  }
  func.func @transform_5(%arg0: i32) -> (i32, i32) {
    %c0_i32 = arith.constant 0 : i32
    %c0_i32_0 = arith.constant 0 : i32
    %c0_i32_1 = arith.constant 0 : i32
    return %c0_i32, %c0_i32_0 : i32, i32
  }
  func.func @transform_6(%arg0: i32) -> (i32, i32) {
    %c0_i32 = arith.constant 0 : i32
    %c0_i32_0 = arith.constant 0 : i32
    %c0_i32_1 = arith.constant 0 : i32
    return %c0_i32, %c0_i32_0 : i32, i32
  }
  func.func @transform_7(%arg0: i32) -> (i32, i32, i32) {
    %c0_i32 = arith.constant 0 : i32
    %c0_i32_0 = arith.constant 0 : i32
    %c0_i32_1 = arith.constant 0 : i32
    %c0_i32_2 = arith.constant 0 : i32
    return %c0_i32, %c0_i32_0, %c0_i32_1 : i32, i32, i32
  }
  func.func @transform_8(%arg0: i32) -> (i32, i32) {
    %c0_i32 = arith.constant 0 : i32
    %c0_i32_0 = arith.constant 0 : i32
    %c0_i32_1 = arith.constant 0 : i32
    return %c0_i32, %c0_i32_0 : i32, i32
  }
  func.func @transform_9(%arg0: i32) -> (i32, i32) {
    %c0_i32 = arith.constant 0 : i32
    %c0_i32_0 = arith.constant 0 : i32
    %c0_i32_1 = arith.constant 0 : i32
    return %c0_i32, %c0_i32_0 : i32, i32
  }
  func.func @transform_10(%arg0: i32) -> (i32, i32) {
    %c0_i32 = arith.constant 0 : i32
    %c0_i32_0 = arith.constant 0 : i32
    %c0_i32_1 = arith.constant 0 : i32
    return %c0_i32, %c0_i32_0 : i32, i32
  }
  func.func @transform_11(%arg0: i32) -> (i32, i32) {
    %c0_i32 = arith.constant 0 : i32
    %c0_i32_0 = arith.constant 0 : i32
    %c0_i32_1 = arith.constant 0 : i32
    return %c0_i32, %c0_i32_0 : i32, i32
  }
  func.func @transform_12(%arg0: i32) -> (i32, i32, i32, i32) {
    %c0_i32 = arith.constant 0 : i32
    %c0_i32_0 = arith.constant 0 : i32
    %c0_i32_1 = arith.constant 0 : i32
    %c0_i32_2 = arith.constant 0 : i32
    return %arg0, %c0_i32, %c0_i32_0, %c0_i32_1 : i32, i32, i32, i32
  }
}

</mosaic_0001>

<sc_bundles>
// kernel: sparse-core-data-format-call.cloned.1.call-start
scs
called_computation_lowered:
.L_overlay_start_0:
0x0: {  	s1 =	sld [smem:$0x3FD9]  }
0x1: {  	s2 =	sld [smem:$0x3FFE];
	_ =	sdelay $0x1  }
0x2: {  	s3 =	srdreg.scid  }
0x3: {  	s0 =	sand.u32 $0x1, s3  }
0x4: {  	s17 =	sshll.u32 s0, $0xA;
	s1 =	sadd.s32 s2, s1  }
0x5: {  	s1 =	sadd.s32 s1, s17  }
0x6: {  	[smem:$0x3FC3] =	sst s1  }
0x7: {  	_ = 	snop  }
0x8: {  	(tm) =	ssettm $0x1  }
0x9: {  	s18 =	sld [smem:$0x3FFB];
	_ =	sdelay $0x3  }
0xa: {  	_ =	strace s18  }
0xb: {  	s1 =	sld [smem:$0x3FFC];
	_ =	sdelay $0x3  }
0xc: {  	_ =	strace s1  }
0xd: {  	s1 =	sld [smem:$0x3FFD];
	_ =	sdelay $0x3  }
0xe: {  	_ =	strace s1  }
0xf: {  	_ =	strace $0x8FFFFFFF  }
0x10: {  	s19 =	sld [smem:$0x3FDB];
	_ =	sdelay $0x1  }
0x11: {  	s20 =	simm.s32 $_scs_section_size  }
0x12: {  	s4 =	simm.s32 $_size__tile_overlayer_lowered;
	s5 =	simm.s32 $_tile_overlayer_lowered  }
0x13: {  	s23 =	simm.s32 $0x1BFF;
	s22 =	sshll.u32 s5, $0x1;
	s1 =	sadd.s32 s20, s19  }
0x14: {  	s6 =	simm.s32 $0x0;
	s21 =	sshll.u32 s4, $0x1;
	s4 =	sadd.s32 s22, s1  }
0x15: {  	[timem:s6], [sflag:s23] =	dma.local [hbm:s4], s21  }
0x16: {  	_ =	swait.ge [sflag:s23], s21  }
0x17: {  	s2 =	ssub.s32 $0x0, s21;
	[sflag:s23] =	ssyncset.done $0x0  }
0x18: {  	[sflag:s23] =	ssyncadd.s32 s2;
	_ =	sdelay $0x1  }
0x19: {  	s24 =	simm.s32 $0x1B8B  }
0x1a: {  	_ =	swait.ge [sflag:s24], $0x1  }
0x1b: {  	[sflag:s24] =	ssyncset.done $0x0  }
0x1c: {  	s26 =	simm.s32 $0x1B8E;
	s25 =	sld [smem:$0x3FFE];
	[sflag:s24] =	ssyncadd.s32 $0xFFFFFFFF  }
0x1d: {  	s27 =	simm.s32 $execute0_lowered;
	[smem:$0x3FD2] =	sst s26  }
0x1e: {  	s4 =	sshll.u32 s27, $0x1;
	_ =	strace $0x80000046;
	[dreg:$0x1] =	wrdreg $0xFFFFFFFF  }
0x1f: {  	s28 =	simm.s32 $_size_execute0_lowered;
	s1 =	sadd.s32 s1, s4;
	[dreg:$0x0] =	wrdreg $0x0  }
0x20: {  	s4 =	sshll.u32 s28, $0x1;
	[dreg:$0x2] =	wrdreg s1  }
0x21: {  	[dreg:$0x3] =	wrdreg s4  }
0x22: {  	[dreg:$0x4] =	wrdreg $0xC0  }
0x23: {  	_ =	task [dreg:s6], $0x5FFFF  }
0x24: {  	[dreg:$0x1] =	wrdreg $0xFFFFFFFF  }
0x25: {  	[dreg:$0x0] =	wrdreg $0x60  }
0x26: {  	[dreg:$0x2] =	wrdreg s25  }
0x27: {  	[dreg:$0x3] =	wrdreg $0x9  }
0x28: {  	_ =	task.clear_ibuf [dreg:s6], $0x4FFFF;
	_ =	strace $0x90000046  }
0x29: {  	s29 =	simm.s32 $0x9;
	_ =	strace $0x80000048  }
0x2a: {  	_ =	swait.ge [sflag:s29], $0x1  }
0x2b: {  	[sflag:s29] =	ssyncadd.s32 $0xFFFFFFFF  }
0x2c: {  	_ =	strace $0x90000048  }
0x2d: {  	_ =	sfence  }
0x2e: {  	s30 =	sld [smem:$0x0];
	_ =	sdelay $0x2  }
0x2f: {  	s31 =	sshll.u32 s3, $0xD;
	s3 =	sshrl.u32 s3, $0x2  }
0x30: {  	s2 =	sand.u32 $0x4000, s31;
	s1 =	sadd.s32 s3, s30  }
0x31: {  	s0 =	sor.u32 s2, s0;
	s1 =	sshll.u32 s1, $0x11  }
0x32: {  	s0 =	sor.u32 s1, s0  }
0x33: {  	s0 =	sadd.s32 $0x8F2B, s0  }
0x34: {  	[sflag:s0] =	ssyncadd.remote.s32 $0x1  }
0x35: {  	_ =	sfence.sel $0xFFFF  }
0x36: {  	[dreg:$0x0] =	wrdreg $0xFFFFFFFF;
	(pc) =	sbr.abs _section_cstart, $3  }
0x37: {  	[dreg:$0x1] =	wrdreg $0xFFFFFFFF  }
0x38: {  	_ =	task.clear_ibuf [dreg:s6], $0x2FFFF;
	_ =	strace $0x9FFFFFFF  }
0x39: {  	(tm) =	ssettm $0x7FFFFFFF  }
tec
execute0_lowered:
.L_overlay_start_1:
0x0: {  	(tag) =	ssettag $0x1  }
0x1: {  	s0 =	rddreg [dreg:$0x0];
	_ =	strace $0x80000047;
	s8 =	stileid.u32  }
0x2: {  	s21 =	srdreg.scid;
	s4 =	simm.s32 $0x1;
	s22 =	simm.s32 $0x2  }
0x3: {  	s30 =	simm.s32 $0x0;
	s2 =	sadd.s32 $0x300200, s0;
	s1 =	sadd.s32 $0x900200, s0  }
0x4: {  	p0 =	por $0x0, $0x0;
	s23 =	sadd.s32 $0x900800, s0;
	s24 =	sadd.s32 $0x900E00, s0  }
0x5: {  	s31 =	simm.s32 $0x0;
	s3 =	sadd.s32 $0x901400, s0;
	s26 =	sadd.s32 $0x901A00, s0  }
0x6: {  	s27 =	stileid.u32;
	s6 =	sadd.s32 $0x902600, s0;
	s11 =	sadd.s32 $0x902C00, s0  }
0x7: {  	s28 =	simm.s32 $0x0;
	s12 =	sadd.s32 $0x903200, s0;
	s13 =	sadd.s32 $0x903800, s0  }
0x8: {  	s5 =	sand.u32 $0x1, s21;
	s15 =	sadd.s32 $0x903E00, s0;
	s16 =	sadd.s32 $0x904400, s0  }
0x9: {  	[sflag:s4] =	ssyncpa.u1 $0x0;
	s17 =	sadd.s32 $0x902000, s0;
	s18 =	sadd.s32 $0x904A00, s0  }
0xa: {  	s19 =	sadd.s32 $0x905000, s0;
	s20 =	sadd.s32 $0x905600, s0;
	[dreg:$0x2] =	wrdreg s1  }
0xb: {  	s21 =	sadd.s32 $0x905C00, s0;
	[dreg:$0x3] =	wrdreg s23;
	s25 =	ssub.s32 $0x10, s5  }
.Ltmp0:
0xc: {  	[dreg:$0x4] =	wrdreg s24;
	s29 =	sshrl.u32 s25, $0x1;
	(pc) =	sbr.rel .LBB1_1-.Ltmp0, $4  }
0xd: {  	s0 =	simm.s32 $0x0;
	[dreg:$0x5] =	wrdreg s3;
	s1 =	ssub.s32 s25, s29  }
0xe: {  	[sflag:s22] =	ssyncpa.u1 $0x0;
	[dreg:$0x6] =	wrdreg s26;
	s14 =	smul.u32 $0x3, s1  }
0xf: {  	[dreg:$0x7] =	wrdreg s6;
	s23 =	simm.s32 $0x20;
	s24 =	simm.s32 $0x80  }
0x10: {  	s26 =	simm.s32 $0x0;
	s25 =	smov.u32 s5;
	s22 =	sadd.s32 $0x1, s14  }
.LBB1_7:
0x11: {  	s1 =	sadd.s32 $0x2, s25  }
0x12: {  	s0 =	simm.s32 $0x1;
	p2 =	sgt.s32 s1, $0xF  }
0x13: {  	s0 =	simm.s32 @!p2 $0x0  }
0x14: {  	s3 =	sadd.s32 s0, s26  }
0x15: {  	s7 =	smov.u32 s27;
	s0 =	sadd.s32 $0x10, s27;
	p3 =	sgt.s32 s3, $0x2  }
0x16: {  	s7 =	smov.u32 @p3 s0  }
0x17: {  	s1 =	smov.u32 @p2 s5;
	p2 =	sgt.s32 s7, $0xF  }
0x18: {  	p1 =	slt.u32 s28, $0x2;
	s7 =	smov.u32 @p2 s8;
	p2 =	sne.s32 s28, s22  }
.Ltmp1:
0x19: {  	s6 =	simm.s32 @!p1 $0x2;
	(pc) =	sbr.rel @!p2 .LBB1_8-.Ltmp1, $4  }
0x1a: {  	s30 =	smov.u32 s25;
	s31 =	smov.u32 s26;
	_ =	swait.ge @!p1 [sflag:s6], $0x4000  }
0x1b: {  	p0 =	por !p0, !p0;
	[sflag:s6] =	ssyncset.done @!p1 $0x0;
	s25 =	smov.u32 s1  }
0x1c: {  	[sflag:s6] =	ssyncadd.s32 @!p1 $0xFFFFC000;
	s3 =	simm.s32 @p3 $0x0;
	s0 =	smov.u32 s27  }
0x1d: {  	s26 =	smov.u32 s3;
	s28 =	sadd.s32 $0x1, s28;
	s27 =	smov.u32 s7  }
.LBB1_1:
0x1e: {  	p1 =	sge.u32 s28, s14  }
0x1f: {  	s1 =	smul.u32 @!p1 $0x60000, s27  }
0x20: {  	s29 =	sadd.s32 $0xFFFFFFFF, s28;
	s3 =	sxor.u32 @!p1 $0xFFFFFFFF, s28  }
0x21: {  	s6 =	sshll.u32 @!p1 s26, $0x11;
	s3 =	sshll.u32 @!p1 s3, $0xE;
	s1 =	sadd.s32 @!p1 s2, s1  }
0x22: {  	s7 =	sshll.u32 @!p1 s25, $0xD;
	s3 =	sand.u32 @!p1 $0x4000, s3;
	s1 =	sadd.s32 @!p1 s6, s1  }
0x23: {  	s6 =	simm.s32 @!p1 $0x20;
	s1 =	sadd.s32 @!p1 s7, s1;
	s7 =	simm.s32 @!p1 $0x80  }
0x24: {  	[tilespmem:s3], [sflag:$0x1] =	stream.strided.gather @!p1 [hbm4b:s1+s6], $0x4000, s7, s6, $0x38;
	[tilespmem:$0x10000] =	vst v63  }
0x25: {  	p1 =	sge.u32 s29, s14  }
.Ltmp2:
0x26: {  	_ = 	snop;
	(pc) =	sbr.rel @p1 .LBB1_7-.Ltmp2, $1  }
0x27: {  	_ =	sdelay $0x3  }
0x28: {  	s1 =	simm.s32 $0x1;
	_ =	swait.ge [sflag:s4], $0x4000  }
0x29: {  	s10 =	sshll.u32 s28, $0xE;
	s7 =	simm.s32 $0x0;
	s1 =	simm.s32 @!p0 $0x0  }
0x2a: {  	[sflag:s4] =	ssyncset.done $0x0;
	s29 =	sand.u32 $0x4000, s10;
	s3 =	sshll.u32 s1, $0xE  }
0x2b: {  	[sflag:s4] =	ssyncadd.s32 $0xFFFFC000;
	s1 =	sor.u32 $0x8000, s29;
	s8 =	sor.u32 $0x8010, s3  }
.LBB1_3:
0x2c: {  	v0 =	vmov s3;
	_ =	sdelay $0x3  }
0x2d: {  	s6 =	simm.s32 $0x0  }
0x2e: {  	v1 =	vld.idx.msk [tilespmem:v0+s6+$0x10 ss:$0x1], $0xffff  }
0x2f: {  	v2 =	vld.idx.msk [tilespmem:v0+s6+$0x0 ss:$0x1], $0xffff;
	_ =	sdelay $0x1  }
0x30: {  	s9 =	simm.s32 $0x80;
	s6 =	smov.u32 s8  }
.LBB1_4:
0x31: {  	s10 =	sshra.s32 s9, $0x2;
	p1 =	sne.s32 s9, $0x780;
	s9 =	sadd.s32 $0x80, s9  }
.Ltmp3:
0x32: {  	[tilespmem:s6+$0x0] =	vst v1;
	v1 =	vld.idx.msk [tilespmem:v0+s10+$0x10 ss:$0x1], $0xffff;
	(pc) =	sbr.rel @p1 .LBB1_4-.Ltmp3, $2  }
0x33: {  	[tilespmem:s6+$0xFFFFFFF0] =	vst v2;
	v2 =	vld.idx.msk [tilespmem:v0+s10+$0x0 ss:$0x1], $0xffff;
	_ =	sdelay $0x2  }
0x34: {  	s6 =	sadd.s32 $0x400, s6  }
0x35: {  	s7 =	sadd.s32 $0x1, s7  }
0x36: {  	p1 =	sne.s32 s7, $0x20  }
.Ltmp4:
0x37: {  	_ = 	snop;
	(pc) =	sbr.rel @p1 .LBB1_3-.Ltmp4, $3  }
0x38: {  	_ =	sdelay $0x1  }
0x39: {  	[tilespmem:s6+$0x0] =	vst v1  }
0x3a: {  	s8 =	sadd.s32 $0x20, s8;
	s3 =	sadd.s32 $0x200, s3;
	[tilespmem:s6+$0xFFFFFFF0] =	vst v2  }
0x3b: {  	s0 =	smul.u32 $0x60000, s0  }
0x3c: {  	s3 =	smul.u32 $0x6000, s30  }
0x3d: {  	s6 =	sshll.u32 s31, $0x9;
	s31 =	rddreg [dreg:$0x2]  }
0x3e: {  	s0 =	sadd.s32 s0, s3;
	s3 =	sadd.s32 s31, s6  }
0x3f: {  	s7 =	rddreg [dreg:$0x3];
	s3 =	sadd.s32 s0, s3  }
0x40: {  	[hbm4b:s3+s23] =	stream.strided.scatter [tilespmem:s1], [sflag:$0x2], $0x400, s24, s23, $0x38;
	[tilespmem:$0x10000] =	vst v63  }
0x41: {  	s1 =	sadd.s32 s6, s7  }
0x42: {  	s8 =	sadd.s32 $0x8400, s29;
	s9 =	rddreg [dreg:$0x4];
	s1 =	sadd.s32 s0, s1  }
0x43: {  	[hbm4b:s1+s23] =	stream.strided.scatter [tilespmem:s8], [sflag:$0x2], $0x400, s24, s23, $0x38;
	[tilespmem:$0x10000] =	vst v63  }
0x44: {  	s1 =	sadd.s32 s6, s9  }
0x45: {  	s10 =	sadd.s32 $0x8800, s29;
	s30 =	rddreg [dreg:$0x5];
	s1 =	sadd.s32 s0, s1  }
0x46: {  	[hbm4b:s1+s23] =	stream.strided.scatter [tilespmem:s10], [sflag:$0x2], $0x400, s24, s23, $0x38;
	[tilespmem:$0x10000] =	vst v63  }
0x47: {  	s1 =	sadd.s32 s6, s30  }
0x48: {  	s31 =	sadd.s32 $0x8C00, s29;
	s7 =	rddreg [dreg:$0x6];
	s1 =	sadd.s32 s0, s1  }
0x49: {  	[hbm4b:s1+s23] =	stream.strided.scatter [tilespmem:s31], [sflag:$0x2], $0x400, s24, s23, $0x38;
	[tilespmem:$0x10000] =	vst v63  }
0x4a: {  	s1 =	sadd.s32 s6, s7  }
0x4b: {  	s8 =	sadd.s32 $0x9000, s29;
	s9 =	sadd.s32 s6, s17;
	s1 =	sadd.s32 s0, s1  }
0x4c: {  	[hbm4b:s1+s23] =	stream.strided.scatter [tilespmem:s8], [sflag:$0x2], $0x400, s24, s23, $0x38;
	[tilespmem:$0x10000] =	vst v63  }
0x4d: {  	s10 =	sadd.s32 $0x9400, s29;
	s30 =	rddreg [dreg:$0x7];
	s1 =	sadd.s32 s0, s9  }
0x4e: {  	[hbm4b:s1+s23] =	stream.strided.scatter [tilespmem:s10], [sflag:$0x2], $0x400, s24, s23, $0x38;
	[tilespmem:$0x10000] =	vst v63  }
0x4f: {  	s1 =	sadd.s32 s6, s30  }
0x50: {  	s31 =	sadd.s32 $0x9800, s29;
	s7 =	sadd.s32 s6, s11;
	s1 =	sadd.s32 s0, s1  }
0x51: {  	[hbm4b:s1+s23] =	stream.strided.scatter [tilespmem:s31], [sflag:$0x2], $0x400, s24, s23, $0x38;
	[tilespmem:$0x10000] =	vst v63  }
0x52: {  	s8 =	sadd.s32 $0x9C00, s29;
	s9 =	sadd.s32 s6, s12;
	s1 =	sadd.s32 s0, s7  }
0x53: {  	[hbm4b:s1+s23] =	stream.strided.scatter [tilespmem:s8], [sflag:$0x2], $0x400, s24, s23, $0x38;
	[tilespmem:$0x10000] =	vst v63  }
0x54: {  	s10 =	sadd.s32 $0xA000, s29;
	s30 =	sadd.s32 s6, s13;
	s1 =	sadd.s32 s0, s9  }
0x55: {  	[hbm4b:s1+s23] =	stream.strided.scatter [tilespmem:s10], [sflag:$0x2], $0x400, s24, s23, $0x38;
	[tilespmem:$0x10000] =	vst v63  }
0x56: {  	s31 =	sadd.s32 $0xA400, s29;
	s7 =	sadd.s32 s6, s15;
	s1 =	sadd.s32 s0, s30  }
0x57: {  	[hbm4b:s1+s23] =	stream.strided.scatter [tilespmem:s31], [sflag:$0x2], $0x400, s24, s23, $0x38;
	[tilespmem:$0x10000] =	vst v63  }
0x58: {  	s8 =	sadd.s32 $0xA800, s29;
	s9 =	sadd.s32 s6, s16;
	s1 =	sadd.s32 s0, s7  }
0x59: {  	[hbm4b:s1+s23] =	stream.strided.scatter [tilespmem:s8], [sflag:$0x2], $0x400, s24, s23, $0x38;
	[tilespmem:$0x10000] =	vst v63  }
0x5a: {  	s10 =	sadd.s32 $0xAC00, s29;
	s30 =	sadd.s32 s6, s18;
	s1 =	sadd.s32 s0, s9  }
0x5b: {  	[hbm4b:s1+s23] =	stream.strided.scatter [tilespmem:s10], [sflag:$0x2], $0x400, s24, s23, $0x38;
	[tilespmem:$0x10000] =	vst v63  }
0x5c: {  	s31 =	sadd.s32 $0xB000, s29;
	s7 =	sadd.s32 s6, s19;
	s1 =	sadd.s32 s0, s30  }
0x5d: {  	[hbm4b:s1+s23] =	stream.strided.scatter [tilespmem:s31], [sflag:$0x2], $0x400, s24, s23, $0x38;
	[tilespmem:$0x10000] =	vst v63  }
0x5e: {  	s8 =	sadd.s32 $0xB400, s29;
	s1 =	sadd.s32 s0, s7  }
0x5f: {  	[hbm4b:s1+s23] =	stream.strided.scatter [tilespmem:s8], [sflag:$0x2], $0x400, s24, s23, $0x38;
	[tilespmem:$0x10000] =	vst v63  }
.Ltmp5:
0x60: {  	s9 =	sadd.s32 s6, s20;
	(pc) =	sbr.rel .LBB1_7-.Ltmp5, $4  }
0x61: {  	s10 =	sadd.s32 $0xB800, s29;
	s30 =	sadd.s32 s6, s21;
	s1 =	sadd.s32 s0, s9  }
0x62: {  	[hbm4b:s1+s23] =	stream.strided.scatter [tilespmem:s10], [sflag:$0x2], $0x400, s24, s23, $0x38;
	[tilespmem:$0x10000] =	vst v63  }
0x63: {  	s31 =	sadd.s32 $0xBC00, s29;
	s0 =	sadd.s32 s0, s30;
	s8 =	stileid.u32  }
0x64: {  	[hbm4b:s0+s23] =	stream.strided.scatter [tilespmem:s31], [sflag:$0x2], $0x400, s24, s23, $0x38;
	[tilespmem:$0x10000] =	vst v63  }
.LBB1_8:
0x65: {  	_ =	sfence.sel $0x180000  }
0x66: {  	s0 =	simm.s32 $0x1;
	[bflag:$0x0] =	sbarrier.arrive $0xFFFF  }
0x67: {  	s31 =	simm.s32 $0x2;
	[sflag:s0] =	ssyncpa.u1 $0x1  }
0x68: {  	[sflag:s31] =	ssyncpa.u1 $0x1  }
0x69: {  	_ =	strace $0x90000047  }
0x6a: {  	[bflag:$0x2] =	sbarrier.arrive $0xFFFF  }
0x6b: {  	p0 =	sne.s32 s8, $0x0;
	s0 =	rddreg [dreg:$0x1]  }
0x6c: {  	s0 =	sadd.s32 @!p0 $0x100000, s0  }
0x6d: {  	[sflag:s0] =	ssyncadd.tile.s32 @!p0 $0x1;
	_ =	shalt  }
.Lfunc_end1:
_tile_overlayer_lowered:
.L_overlay_start_2:
0x6e: {  	(tag) =	ssettag $0x2  }
0x6f: {  	s0 =	rddreg [dreg:$0x0];
	s2 =	stileid.u32  }
0x70: {  	s1 =	rddreg [dreg:$0x1];
	p0 =	sne.s32 s2, $0x0  }
0x71: {  	s3 =	rddreg [dreg:$0x2];
	[bflag:$0x3] =	sbarrier.arrive $0xFFFF;
	s2 =	simm.s32 @!p0 $0x1C01  }
0x72: {  	[timem:s3], [sflag:s2] =	dma.local @!p0 [hbm:s0], s1  }
0x73: {  	s0 =	simm.s32 @!p0 $0x1  }
0x74: {  	_ =	swait.ge @!p0 [sflag:s0], s1  }
0x75: {  	s1 =	ssub.s32 @!p0 $0x0, s1;
	[sflag:s0] =	ssyncset.done @!p0 $0x0  }
0x76: {  	[sflag:s0] =	ssyncadd.s32 @!p0 s1  }
0x77: {  	[bflag:$0x3] =	sbarrier.arrive $0xFFFF  }
0x78: {  	_ =	shalt  }

</sc_bundles>
